<compile_context>
chip_gen: v7x
topology: tpu7x:2x2x1
jax: 0.10.2.dev20260603
libtpu: 0.0.44.dev20260713+nightly
codegen_flags: <defaults>
</compile_context>

<pallas_src>
import functools

import jax
import jax.numpy as jnp
from jax import lax
from jax.experimental import pallas as pl
from jax.experimental.pallas import tpu as pltpu
from jax.experimental.pallas import tpu_sc as plsc

B, N, D, K = 16, 576, 256, 1024
R = B * N
TILE = 1536
NB = R // TILE
HALF = NB // 2
R_SC = HALF * TILE


def _dist_argmin_body(x_ref, cb_ref, hi_ref, mid_ref, lo_ref,
                      idx_ref, loss_ref, codes_ref):
    i = pl.program_id(0)
    x = x_ref[...]
    cb = cb_ref[...]
    cross = lax.dot_general(
        x, cb, (((1,), (1,)), ((), ())),
        preferred_element_type=jnp.float32)
    c2 = jnp.sum(cb * cb, axis=1)
    x2 = jnp.sum(x * x, axis=1, keepdims=True)
    d2 = jnp.maximum(x2 + c2[None, :] - 2.0 * cross, 0.0)
    idxv = jnp.argmin(d2, axis=1).astype(jnp.int32)
    idx_ref[...] = idxv.reshape(1, 1, TILE)
    mind2 = jnp.min(d2, axis=1)

    @pl.when(i == 0)
    def _():
        loss_ref[...] = jnp.zeros_like(loss_ref)

    loss_ref[...] = loss_ref[...] + jnp.sum(mind2)[None, None]

    @pl.when(i >= HALF)
    def _():
        kk = lax.broadcasted_iota(jnp.int32, (TILE, K), 1)
        onehot = (kk == idxv[:, None]).astype(jnp.bfloat16)

        def pick(part_ref):
            return lax.dot_general(
                onehot, part_ref[...], (((1,), (0,)), ((), ())),
                preferred_element_type=jnp.float32)

        codes_ref[...] = pick(hi_ref)
        codes_ref[...] = codes_ref[...] + pick(mid_ref)
        codes_ref[...] = codes_ref[...] + pick(lo_ref)


def _dist_argmin(x2d, codebook):
    nb = x2d.shape[0] // TILE
    return pl.pallas_call(
        _dist_argmin_body,
        grid=(nb,),
        in_specs=[
            pl.BlockSpec((TILE, D), lambda i: (i, 0)),
            pl.BlockSpec((K, D), lambda i: (0, 0)),
            pl.BlockSpec((K, D), lambda i: (0, 0)),
            pl.BlockSpec((K, D), lambda i: (0, 0)),
            pl.BlockSpec((K, D), lambda i: (0, 0)),
        ],
        out_specs=[
            pl.BlockSpec((1, 1, TILE), lambda i: (i, 0, 0)),
            pl.BlockSpec((1, 1), lambda i: (0, 0)),
            pl.BlockSpec((TILE, D), lambda i: (i, 0)),
        ],
        out_shape=[
            jax.ShapeDtypeStruct((nb, 1, TILE), jnp.int32),
            jax.ShapeDtypeStruct((1, 1), jnp.float32),
            jax.ShapeDtypeStruct((nb * TILE, D), jnp.float32),
        ],
    )(x2d, codebook, *_bf16_split(codebook))


def _bf16_split(cb):
    mask = jnp.uint32(0xFFFF0000)

    def trunc(v):
        u = lax.bitcast_convert_type(v, jnp.uint32)
        return lax.bitcast_convert_type(u & mask, jnp.float32)

    hi = trunc(cb)
    r = cb - hi
    mid = trunc(r)
    lo = r - mid
    return (hi.astype(jnp.bfloat16), mid.astype(jnp.bfloat16),
            lo.astype(jnp.bfloat16))


def _gather_codes(codebook, idx):
    rows = idx.shape[0]
    info = plsc.get_sparse_core_info()
    nc = info.num_cores
    nw = nc * info.num_subcores
    bpw = rows // nw
    nsub = 4 if bpw % 32 == 0 else 2
    sub = bpw // nsub
    mesh = plsc.VectorSubcoreMesh(core_axis_name="c", subcore_axis_name="s")

    @functools.partial(
        pl.kernel, mesh=mesh,
        out_type=jax.ShapeDtypeStruct((rows, D), jnp.float32),
        scratch_types=[
            pltpu.VMEM((bpw,), jnp.int32),
            pltpu.VMEM((bpw, D), jnp.float32),
        ] + [pltpu.SemaphoreType.DMA] * (2 * nsub),
    )
    def k(table_hbm, idx_hbm, out_hbm, idx_v, rows_v, *sems):
        wid = lax.axis_index("s") * nc + lax.axis_index("c")
        base = wid * bpw
        pltpu.sync_copy(idx_hbm.at[pl.ds(base, bpw)], idx_v)
        gathers = [
            pltpu.async_copy(
                table_hbm.at[idx_v.at[pl.ds(j * sub, sub)]],
                rows_v.at[pl.ds(j * sub, sub)], sems[j])
            for j in range(nsub)
        ]
        scatters = []
        for j in range(nsub):
            gathers[j].wait()
            scatters.append(pltpu.async_copy(
                rows_v.at[pl.ds(j * sub, sub)],
                out_hbm.at[pl.ds(base + j * sub, sub)], sems[nsub + j]))
        for s in scatters:
            s.wait()

    return k(codebook, idx)


def kernel(x, codebook):
    x2d = x.reshape(R, D)
    idx3, loss_sum, codes_tc = _dist_argmin(x2d, codebook)
    idx = idx3.reshape(R)
    codes_sc = _gather_codes(codebook, lax.slice(idx, (0,), (R_SC,)))
    codes = lax.dynamic_update_slice(codes_tc, codes_sc, (0, 0))
    quantized = codes.reshape(B, N, D)
    indices = idx.reshape(B, N)
    loss = 2.0 * loss_sum[0, 0] / jnp.float32(R * D)
    return (quantized, indices, loss)

# --- scband reference (transcript-rebuilt; emitter-appended) ---
"""Pipeline reference for scband-vq-49898930045514 (READ-ONLY COPY).

The authoritative reference and input builder live on the scoring server;
editing this copy changes nothing except your own understanding.
"""

import jax, jax.numpy as jnp
import numpy as np


def setup_inputs(seed: int = 0) -> dict:
    key = jax.random.key(seed)
    k1, k2 = jax.random.split(key)
    x = jax.random.normal(k1, (16, 576, 256), dtype=jnp.float32)
    codebook = jax.random.normal(k2, (1024, 256), dtype=jnp.float32)
    return {"x": x, "codebook": codebook}


def reference(x, codebook):
    commitment_cost = 1.0
    # torch.cdist equivalent: pairwise euclidean distance between x [B,N,D] and codebook [K,D]
    x2 = jnp.sum(x * x, axis=-1, keepdims=True)            # [B,N,1]
    c2 = jnp.sum(codebook * codebook, axis=-1)             # [K]
    cross = jnp.einsum('bnd,kd->bnk', x, codebook)         # [B,N,K]
    d2 = x2 + c2[None, None, :] - 2.0 * cross
    dist = jnp.sqrt(jnp.clip(d2, 0.0, None))               # [B,N,K]
    indices = jnp.argmin(dist, axis=-1)                    # [B,N]
    codes = jnp.take(codebook, indices, axis=0)            # [B,N,D] gather
    code_loss = jnp.mean((codes - jax.lax.stop_gradient(x)) ** 2)
    embedding_loss = jnp.mean((x - jax.lax.stop_gradient(codes)) ** 2) * commitment_cost
    loss = code_loss + embedding_loss
    quantized = x + jax.lax.stop_gradient(codes - x)
    return (quantized, indices, loss)

if __name__ == "__main__":
    import jax
    _d = setup_inputs()
    print(jax.jit(kernel)(*tuple(_d.values())))

</pallas_src>

<mosaic_0001>
#map = affine_map<(d0, d1) -> (0, 0)>
#map1 = affine_map<(d0, d1) -> (0)>
module attributes {stable_mosaic.version = 14 : i64} {
  func.func @k(%arg0: i32, %arg1: i32, %arg2: memref<1024x256xf32, #tpu.memory_space<hbm>>, %arg3: memref<4608xi32, #tpu.memory_space<hbm>>, %arg4: memref<4608x256xf32, #tpu.memory_space<hbm>>, %arg5: memref<144xi32, #tpu.memory_space<vmem>>, %arg6: memref<144x256xf32, #tpu.memory_space<vmem>>, %arg7: memref<!tpu.dma_semaphore, #tpu.memory_space<semaphore_mem>>, %arg8: memref<!tpu.dma_semaphore, #tpu.memory_space<semaphore_mem>>, %arg9: memref<!tpu.dma_semaphore, #tpu.memory_space<semaphore_mem>>, %arg10: memref<!tpu.dma_semaphore, #tpu.memory_space<semaphore_mem>>) attributes {dimension_semantics = [#tpu.dimension_semantics<core_parallel>, #tpu.dimension_semantics<subcore_parallel>], iteration_bounds = array<i64: 2, 16>, scalar_prefetch = 0 : i64, scratch_operands = 6 : i64, tpu.core_type = #tpu.core_type<sc_vector_subcore>, window_params = [{transform_indices = #map}, {transform_indices = #map1}, {transform_indices = #map}]} {
    %mul3A = arith.constant 2 : i32
    %mul3A_0 = arith.muli %arg1, %mul3A : i32
    %add3A = arith.addi %mul3A_0, %arg0 : i32
    %mul3A_1 = arith.constant 144 : i32
    %mul3A_2 = arith.muli %add3A, %mul3A_1 : i32
    "tpu.region"() ({
      %run_scoped3A = tpu.sem_alloc : memref<!tpu.dma_semaphore, #tpu.memory_space<semaphore_mem>>
      %dma_start3A_77 = tpu.memref_slice %arg3[%mul3A_2] : memref<4608xi32, #tpu.memory_space<hbm>> -> memref<144xi32, #tpu.memory_space<hbm>>
      %dma_start3A_78 = tpu.memref_slice %arg3[%mul3A_2] : memref<4608xi32, #tpu.memory_space<hbm>> -> memref<144xi32, #tpu.memory_space<hbm>>
      tpu.enqueue_dma source(%dma_start3A_78 : memref<144xi32, #tpu.memory_space<hbm>>) target(%arg5 : memref<144xi32, #tpu.memory_space<vmem>>) target_semaphore(%run_scoped3A : memref<!tpu.dma_semaphore, #tpu.memory_space<semaphore_mem>>)
      %dma_wait3A_79 = tpu.memref_slice %arg3[%mul3A_2] : memref<4608xi32, #tpu.memory_space<hbm>> -> memref<144xi32, #tpu.memory_space<hbm>>
      %dma_wait3A_80 = tpu.memref_slice %arg3[%mul3A_2] : memref<4608xi32, #tpu.memory_space<hbm>> -> memref<144xi32, #tpu.memory_space<hbm>>
      tpu.wait_dma2 semaphore(%run_scoped3A : memref<!tpu.dma_semaphore, #tpu.memory_space<semaphore_mem>>) src(%dma_wait3A_80 : memref<144xi32, #tpu.memory_space<hbm>>) dst(%arg5 : memref<144xi32, #tpu.memory_space<vmem>>)
      tpu.yield
    }) : () -> ()
    %dma_start3A = arith.constant 0 : i32
    %dma_start3A_3 = arith.constant 0 : i32
    %dma_start3A_4 = tpu.memref_slice %arg6[%dma_start3A, %dma_start3A_3] : memref<144x256xf32, #tpu.memory_space<vmem>> -> memref<72x256xf32, #tpu.memory_space<vmem>>
    %dma_start3A_5 = arith.constant 0 : i32
    %dma_start3A_6 = tpu.memref_slice %arg5[%dma_start3A_5] : memref<144xi32, #tpu.memory_space<vmem>> -> memref<72xi32, #tpu.memory_space<vmem>>
    %dma_start3A_7 = arith.constant 0 : i32
    %dma_start3A_8 = arith.constant 0 : i32
    %dma_start3A_9 = tpu.memref_slice %arg2[%dma_start3A_7, %dma_start3A_8] : memref<1024x256xf32, #tpu.memory_space<hbm>> -> memref<1024x256xf32, #tpu.memory_space<hbm>>
    tpu.enqueue_indirect_dma source(%dma_start3A_9 : memref<1024x256xf32, #tpu.memory_space<hbm>>) target(%dma_start3A_4 : memref<72x256xf32, #tpu.memory_space<vmem>>) offsets(%dma_start3A_6 : memref<72xi32, #tpu.memory_space<vmem>>) semaphore(%arg7 : memref<!tpu.dma_semaphore, #tpu.memory_space<semaphore_mem>>)
    %dma_start3A_10 = arith.constant 72 : i32
    %dma_start3A_11 = arith.constant 0 : i32
    %dma_start3A_12 = tpu.memref_slice %arg6[%dma_start3A_10, %dma_start3A_11] : memref<144x256xf32, #tpu.memory_space<vmem>> -> memref<72x256xf32, #tpu.memory_space<vmem>>
    %dma_start3A_13 = arith.constant 72 : i32
    %dma_start3A_14 = tpu.memref_slice %arg5[%dma_start3A_13] : memref<144xi32, #tpu.memory_space<vmem>> -> memref<72xi32, #tpu.memory_space<vmem>>
    %dma_start3A_15 = arith.constant 0 : i32
    %dma_start3A_16 = arith.constant 0 : i32
    %dma_start3A_17 = tpu.memref_slice %arg2[%dma_start3A_15, %dma_start3A_16] : memref<1024x256xf32, #tpu.memory_space<hbm>> -> memref<1024x256xf32, #tpu.memory_space<hbm>>
    tpu.enqueue_indirect_dma source(%dma_start3A_17 : memref<1024x256xf32, #tpu.memory_space<hbm>>) target(%dma_start3A_12 : memref<72x256xf32, #tpu.memory_space<vmem>>) offsets(%dma_start3A_14 : memref<72xi32, #tpu.memory_space<vmem>>) semaphore(%arg8 : memref<!tpu.dma_semaphore, #tpu.memory_space<semaphore_mem>>)
    %dma_wait3A = arith.constant 0 : i32
    %dma_wait3A_18 = arith.constant 0 : i32
    %dma_wait3A_19 = tpu.memref_slice %arg6[%dma_wait3A, %dma_wait3A_18] : memref<144x256xf32, #tpu.memory_space<vmem>> -> memref<72x256xf32, #tpu.memory_space<vmem>>
    %dma_wait3A_20 = arith.constant 0 : i32
    %dma_wait3A_21 = tpu.memref_slice %arg5[%dma_wait3A_20] : memref<144xi32, #tpu.memory_space<vmem>> -> memref<72xi32, #tpu.memory_space<vmem>>
    %dma_wait3A_22 = arith.constant 0 : i32
    %dma_wait3A_23 = arith.constant 0 : i32
    %dma_wait3A_24 = tpu.memref_slice %arg2[%dma_wait3A_22, %dma_wait3A_23] : memref<1024x256xf32, #tpu.memory_space<hbm>> -> memref<1024x256xf32, #tpu.memory_space<hbm>>
    tpu.wait_indirect_dma semaphore(%arg7 : memref<!tpu.dma_semaphore, #tpu.memory_space<semaphore_mem>>) src(%dma_wait3A_24 : memref<1024x256xf32, #tpu.memory_space<hbm>>) dst(%dma_wait3A_19 : memref<72x256xf32, #tpu.memory_space<vmem>>)
    %add3A_25 = arith.constant 0 : i32
    %add3A_26 = arith.addi %mul3A_2, %add3A_25 : i32
    %dma_start3A_27 = arith.constant 0 : i32
    %dma_start3A_28 = arith.constant 0 : i32
    %dma_start3A_29 = tpu.memref_slice %arg6[%dma_start3A_27, %dma_start3A_28] : memref<144x256xf32, #tpu.memory_space<vmem>> -> memref<72x256xf32, #tpu.memory_space<vmem>>
    %dma_start3A_30 = arith.constant 0 : i32
    %dma_start3A_31 = tpu.memref_slice %arg4[%add3A_26, %dma_start3A_30] : memref<4608x256xf32, #tpu.memory_space<hbm>> -> memref<72x256xf32, #tpu.memory_space<hbm>>
    %dma_start3A_32 = arith.constant 0 : i32
    %dma_start3A_33 = tpu.memref_slice %arg4[%add3A_26, %dma_start3A_32] : memref<4608x256xf32, #tpu.memory_space<hbm>> -> memref<72x256xf32, #tpu.memory_space<hbm>>
    %dma_start3A_34 = arith.constant 0 : i32
    %dma_start3A_35 = arith.constant 0 : i32
    %dma_start3A_36 = tpu.memref_slice %arg6[%dma_start3A_34, %dma_start3A_35] : memref<144x256xf32, #tpu.memory_space<vmem>> -> memref<72x256xf32, #tpu.memory_space<vmem>>
    tpu.enqueue_dma source(%dma_start3A_36 : memref<72x256xf32, #tpu.memory_space<vmem>>) target(%dma_start3A_33 : memref<72x256xf32, #tpu.memory_space<hbm>>) target_semaphore(%arg9 : memref<!tpu.dma_semaphore, #tpu.memory_space<semaphore_mem>>)
    %dma_wait3A_37 = arith.constant 72 : i32
    %dma_wait3A_38 = arith.constant 0 : i32
    %dma_wait3A_39 = tpu.memref_slice %arg6[%dma_wait3A_37, %dma_wait3A_38] : memref<144x256xf32, #tpu.memory_space<vmem>> -> memref<72x256xf32, #tpu.memory_space<vmem>>
    %dma_wait3A_40 = arith.constant 72 : i32
    %dma_wait3A_41 = tpu.memref_slice %arg5[%dma_wait3A_40] : memref<144xi32, #tpu.memory_space<vmem>> -> memref<72xi32, #tpu.memory_space<vmem>>
    %dma_wait3A_42 = arith.constant 0 : i32
    %dma_wait3A_43 = arith.constant 0 : i32
    %dma_wait3A_44 = tpu.memref_slice %arg2[%dma_wait3A_42, %dma_wait3A_43] : memref<1024x256xf32, #tpu.memory_space<hbm>> -> memref<1024x256xf32, #tpu.memory_space<hbm>>
    tpu.wait_indirect_dma semaphore(%arg8 : memref<!tpu.dma_semaphore, #tpu.memory_space<semaphore_mem>>) src(%dma_wait3A_44 : memref<1024x256xf32, #tpu.memory_space<hbm>>) dst(%dma_wait3A_39 : memref<72x256xf32, #tpu.memory_space<vmem>>)
    %add3A_45 = arith.constant 72 : i32
    %add3A_46 = arith.addi %mul3A_2, %add3A_45 : i32
    %dma_start3A_47 = arith.constant 72 : i32
    %dma_start3A_48 = arith.constant 0 : i32
    %dma_start3A_49 = tpu.memref_slice %arg6[%dma_start3A_47, %dma_start3A_48] : memref<144x256xf32, #tpu.memory_space<vmem>> -> memref<72x256xf32, #tpu.memory_space<vmem>>
    %dma_start3A_50 = arith.constant 0 : i32
    %dma_start3A_51 = tpu.memref_slice %arg4[%add3A_46, %dma_start3A_50] : memref<4608x256xf32, #tpu.memory_space<hbm>> -> memref<72x256xf32, #tpu.memory_space<hbm>>
    %dma_start3A_52 = arith.constant 0 : i32
    %dma_start3A_53 = tpu.memref_slice %arg4[%add3A_46, %dma_start3A_52] : memref<4608x256xf32, #tpu.memory_space<hbm>> -> memref<72x256xf32, #tpu.memory_space<hbm>>
    %dma_start3A_54 = arith.constant 72 : i32
    %dma_start3A_55 = arith.constant 0 : i32
    %dma_start3A_56 = tpu.memref_slice %arg6[%dma_start3A_54, %dma_start3A_55] : memref<144x256xf32, #tpu.memory_space<vmem>> -> memref<72x256xf32, #tpu.memory_space<vmem>>
    tpu.enqueue_dma source(%dma_start3A_56 : memref<72x256xf32, #tpu.memory_space<vmem>>) target(%dma_start3A_53 : memref<72x256xf32, #tpu.memory_space<hbm>>) target_semaphore(%arg10 : memref<!tpu.dma_semaphore, #tpu.memory_space<semaphore_mem>>)
    %dma_wait3A_57 = arith.constant 0 : i32
    %dma_wait3A_58 = arith.constant 0 : i32
    %dma_wait3A_59 = tpu.memref_slice %arg6[%dma_wait3A_57, %dma_wait3A_58] : memref<144x256xf32, #tpu.memory_space<vmem>> -> memref<72x256xf32, #tpu.memory_space<vmem>>
    %dma_wait3A_60 = arith.constant 0 : i32
    %dma_wait3A_61 = tpu.memref_slice %arg4[%add3A_26, %dma_wait3A_60] : memref<4608x256xf32, #tpu.memory_space<hbm>> -> memref<72x256xf32, #tpu.memory_space<hbm>>
    %dma_wait3A_62 = arith.constant 0 : i32
    %dma_wait3A_63 = tpu.memref_slice %arg4[%add3A_26, %dma_wait3A_62] : memref<4608x256xf32, #tpu.memory_space<hbm>> -> memref<72x256xf32, #tpu.memory_space<hbm>>
    %dma_wait3A_64 = arith.constant 0 : i32
    %dma_wait3A_65 = arith.constant 0 : i32
    %dma_wait3A_66 = tpu.memref_slice %arg6[%dma_wait3A_64, %dma_wait3A_65] : memref<144x256xf32, #tpu.memory_space<vmem>> -> memref<72x256xf32, #tpu.memory_space<vmem>>
    tpu.wait_dma2 semaphore(%arg9 : memref<!tpu.dma_semaphore, #tpu.memory_space<semaphore_mem>>) src(%dma_wait3A_66 : memref<72x256xf32, #tpu.memory_space<vmem>>) dst(%dma_wait3A_63 : memref<72x256xf32, #tpu.memory_space<hbm>>)
    %dma_wait3A_67 = arith.constant 72 : i32
    %dma_wait3A_68 = arith.constant 0 : i32
    %dma_wait3A_69 = tpu.memref_slice %arg6[%dma_wait3A_67, %dma_wait3A_68] : memref<144x256xf32, #tpu.memory_space<vmem>> -> memref<72x256xf32, #tpu.memory_space<vmem>>
    %dma_wait3A_70 = arith.constant 0 : i32
    %dma_wait3A_71 = tpu.memref_slice %arg4[%add3A_46, %dma_wait3A_70] : memref<4608x256xf32, #tpu.memory_space<hbm>> -> memref<72x256xf32, #tpu.memory_space<hbm>>
    %dma_wait3A_72 = arith.constant 0 : i32
    %dma_wait3A_73 = tpu.memref_slice %arg4[%add3A_46, %dma_wait3A_72] : memref<4608x256xf32, #tpu.memory_space<hbm>> -> memref<72x256xf32, #tpu.memory_space<hbm>>
    %dma_wait3A_74 = arith.constant 72 : i32
    %dma_wait3A_75 = arith.constant 0 : i32
    %dma_wait3A_76 = tpu.memref_slice %arg6[%dma_wait3A_74, %dma_wait3A_75] : memref<144x256xf32, #tpu.memory_space<vmem>> -> memref<72x256xf32, #tpu.memory_space<vmem>>
    tpu.wait_dma2 semaphore(%arg10 : memref<!tpu.dma_semaphore, #tpu.memory_space<semaphore_mem>>) src(%dma_wait3A_76 : memref<72x256xf32, #tpu.memory_space<vmem>>) dst(%dma_wait3A_73 : memref<72x256xf32, #tpu.memory_space<hbm>>)
    return
  }
}

module attributes {stable_mosaic.version = 14 : i64} {
  func.func @_dist_argmin_body(%arg0: i32, %arg1: memref<1536x256xf32, #tpu.memory_space<vmem>>, %arg2: memref<1024x256xf32, #tpu.memory_space<vmem>>, %arg3: memref<1024x256xbf16, #tpu.memory_space<vmem>>, %arg4: memref<1024x256xbf16, #tpu.memory_space<vmem>>, %arg5: memref<1024x256xbf16, #tpu.memory_space<vmem>>, %arg6: memref<1x1x1536xi32, #tpu.memory_space<vmem>>, %arg7: memref<1x1xf32, #tpu.memory_space<vmem>>, %arg8: memref<1536x256xf32, #tpu.memory_space<vmem>>) attributes {dimension_semantics = [#tpu.dimension_semantics<arbitrary>], iteration_bounds = array<i64: 6>, scalar_prefetch = 0 : i64, scratch_operands = 0 : i64, tpu.core_type = #tpu.core_type<tc>, window_params = [{transform_indices = @transform_0, window_bounds = array<i64: 1536, 256>}, {pipeline_mode = #tpu.pipeline_mode<synchronous>, transform_indices = @transform_1, window_bounds = array<i64: 1024, 256>}, {pipeline_mode = #tpu.pipeline_mode<synchronous>, transform_indices = @transform_2, window_bounds = array<i64: 1024, 256>}, {pipeline_mode = #tpu.pipeline_mode<synchronous>, transform_indices = @transform_3, window_bounds = array<i64: 1024, 256>}, {pipeline_mode = #tpu.pipeline_mode<synchronous>, transform_indices = @transform_4, window_bounds = array<i64: 1024, 256>}, {transform_indices = @transform_5, window_bounds = array<i64: 1, 1, 1536>}, {pipeline_mode = #tpu.pipeline_mode<synchronous>, transform_indices = @transform_6, window_bounds = array<i64: 1, 1>}, {transform_indices = @transform_7, window_bounds = array<i64: 1536, 256>}]} {
    %get3A = arith.constant 0 : index
    %get3A_0 = arith.constant 0 : index
    %get3A_1 = vector.load %arg1[%get3A, %get3A_0] : memref<1536x256xf32, #tpu.memory_space<vmem>>, vector<1536x256xf32>
    %get3A_2 = arith.constant 0 : index
    %get3A_3 = arith.constant 0 : index
    %get3A_4 = vector.load %arg2[%get3A_2, %get3A_3] : memref<1024x256xf32, #tpu.memory_space<vmem>>, vector<1024x256xf32>
    %dot_general3A = arith.constant dense<0.000000e+00> : vector<1536x1024xf32>
    %dot_general3A_5 = tpu.matmul %get3A_1, %get3A_4, %dot_general3A {dimension_numbers = #tpu.dot_dimension_numbers<[1], [1], [0], [0], [0, 0, 1, 0], [], []>, transpose_lhs_hint = false} : vector<1536x256xf32>, vector<1024x256xf32>, vector<1536x1024xf32> -> vector<1536x1024xf32>
    %mul3A = arith.mulf %get3A_4, %get3A_4 : vector<1024x256xf32>
    %reduce_sum3A = arith.constant dense<0.000000e+00> : vector<1024xf32>
    %reduce_sum3A_6 = vector.multi_reduction <add>, %mul3A, %reduce_sum3A [1] : vector<1024x256xf32> to vector<1024xf32>
    %mul3A_7 = arith.mulf %get3A_1, %get3A_1 : vector<1536x256xf32>
    %reduce_sum3A_8 = arith.constant dense<0.000000e+00> : vector<1536xf32>
    %reduce_sum3A_9 = vector.multi_reduction <add>, %mul3A_7, %reduce_sum3A_8 [1] : vector<1536x256xf32> to vector<1536xf32>
    %broadcast_in_dim3A = vector.shape_cast %reduce_sum3A_9 : vector<1536xf32> to vector<1536x1xf32>
    %broadcast_in_dim3A_10 = vector.shape_cast %reduce_sum3A_6 : vector<1024xf32> to vector<1x1024xf32>
    %add3A = vector.broadcast %broadcast_in_dim3A : vector<1536x1xf32> to vector<1536x1024xf32>
    %add3A_11 = vector.broadcast %broadcast_in_dim3A_10 : vector<1x1024xf32> to vector<1536x1024xf32>
    %add3A_12 = arith.addf %add3A, %add3A_11 : vector<1536x1024xf32>
    %mul3A_13 = arith.constant 2.000000e+00 : f32
    %mul3A_14 = vector.broadcast %mul3A_13 : f32 to vector<1536x1024xf32>
    %mul3A_15 = arith.mulf %mul3A_14, %dot_general3A_5 : vector<1536x1024xf32>
    %sub3A = arith.subf %add3A_12, %mul3A_15 : vector<1536x1024xf32>
    %max3A = arith.constant 0.000000e+00 : f32
    %max3A_16 = vector.broadcast %max3A : f32 to vector<1536x1024xf32>
    %max3A_17 = arith.maximumf %sub3A, %max3A_16 : vector<1536x1024xf32>
    %argmin3A = tpu.reduce_index %max3A_17 {axis = 1 : i32, kind = #tpu.reduction_kind<arg_min>} : vector<1536x1024xf32> -> vector<1536xi32>
    %reshape3A = vector.shape_cast %argmin3A : vector<1536xi32> to vector<1x1x1536xi32>
    %swap3A = arith.constant 0 : index
    %swap3A_18 = arith.constant 0 : index
    %swap3A_19 = arith.constant 0 : index
    %swap3A_20 = vector.load %arg6[%swap3A, %swap3A_18, %swap3A_19] : memref<1x1x1536xi32, #tpu.memory_space<vmem>>, vector<1x1x1536xi32>
    tpu.vector_store %arg6[%swap3A, %swap3A_18, %swap3A_19], %reshape3A {strides = array<i32>} : memref<1x1x1536xi32, #tpu.memory_space<vmem>>, vector<1x1x1536xi32>,
    %reduce_min3A = arith.constant dense<0x7F800000> : vector<1536xf32>
    %reduce_min3A_21 = vector.multi_reduction <minimumf>, %max3A_17, %reduce_min3A [1] : vector<1536x1024xf32> to vector<1536xf32>
    %eq3A = arith.constant 0 : i32
    %eq3A_22 = arith.cmpi eq, %arg0, %eq3A : i32
    %convert_element_type3A = arith.extui %eq3A_22 : i1 to i32
    %cond3A = arith.constant 0 : i32
    %cond3A_23 = arith.cmpi ne, %convert_element_type3A, %cond3A : i32
    scf.if %cond3A_23 {
      %broadcast_in_dim3A_41 = arith.constant 0.000000e+00 : f32
      %broadcast_in_dim3A_42 = vector.broadcast %broadcast_in_dim3A_41 : f32 to vector<1x1xf32>
      %swap3A_43 = arith.constant 0 : index
      %swap3A_44 = arith.constant 0 : index
      %swap3A_45 = vector.load %arg7[%swap3A_43, %swap3A_44] : memref<1x1xf32, #tpu.memory_space<vmem>>, vector<1x1xf32>
      tpu.vector_store %arg7[%swap3A_43, %swap3A_44], %broadcast_in_dim3A_42 {strides = array<i32>} : memref<1x1xf32, #tpu.memory_space<vmem>>, vector<1x1xf32>,
    } else {
    }
    %get3A_24 = arith.constant 0 : index
    %get3A_25 = arith.constant 0 : index
    %get3A_26 = vector.load %arg7[%get3A_24, %get3A_25] : memref<1x1xf32, #tpu.memory_space<vmem>>, vector<1x1xf32>
    %reduce_sum3A_27 = vector.shape_cast %reduce_min3A_21 : vector<1536xf32> to vector<1x1536xf32>
    %reduce_sum3A_28 = arith.constant dense<0.000000e+00> : vector<1xf32>
    %reduce_sum3A_29 = vector.multi_reduction <add>, %reduce_sum3A_27, %reduce_sum3A_28 [1] : vector<1x1536xf32> to vector<1xf32>
    %reduce_sum3A_30 = vector.shape_cast %reduce_sum3A_29 : vector<1xf32> to vector<1x1xf32>
    %reduce_sum3A_31 = vector.extract %reduce_sum3A_30[0, 0] : f32 from vector<1x1xf32>
    %broadcast_in_dim3A_32 = vector.broadcast %reduce_sum3A_31 : f32 to vector<1x1xf32>
    %add3A_33 = arith.addf %get3A_26, %broadcast_in_dim3A_32 : vector<1x1xf32>
    %swap3A_34 = arith.constant 0 : index
    %swap3A_35 = arith.constant 0 : index
    %swap3A_36 = vector.load %arg7[%swap3A_34, %swap3A_35] : memref<1x1xf32, #tpu.memory_space<vmem>>, vector<1x1xf32>
    tpu.vector_store %arg7[%swap3A_34, %swap3A_35], %add3A_33 {strides = array<i32>} : memref<1x1xf32, #tpu.memory_space<vmem>>, vector<1x1xf32>,
    %ge3A = arith.constant 3 : i32
    %ge3A_37 = arith.cmpi sge, %arg0, %ge3A : i32
    %convert_element_type3A_38 = arith.extui %ge3A_37 : i1 to i32
    %cond3A_39 = arith.constant 0 : i32
    %cond3A_40 = arith.cmpi ne, %convert_element_type3A_38, %cond3A_39 : i32
    scf.if %cond3A_40 {
      %iota3A = tpu.iota {dimensions = array<i32: 1>} : vector<1536x1024xi32>
      %broadcast_in_dim3A_41 = vector.shape_cast %argmin3A : vector<1536xi32> to vector<1536x1xi32>
      %eq3A_42 = vector.broadcast %broadcast_in_dim3A_41 : vector<1536x1xi32> to vector<1536x1024xi32>
      %eq3A_43 = arith.cmpi eq, %iota3A, %eq3A_42 : vector<1536x1024xi32>
      %convert_element_type3A_44 = arith.extui %eq3A_43 : vector<1536x1024xi1> to vector<1536x1024xi32>
      %convert_element_type3A_45 = arith.sitofp %convert_element_type3A_44 : vector<1536x1024xi32> to vector<1536x1024xf32>
      %convert_element_type3A_46 = arith.truncf %convert_element_type3A_45 : vector<1536x1024xf32> to vector<1536x1024xbf16>
      %get3A_47 = arith.constant 0 : index
      %get3A_48 = arith.constant 0 : index
      %get3A_49 = vector.load %arg3[%get3A_47, %get3A_48] : memref<1024x256xbf16, #tpu.memory_space<vmem>>, vector<1024x256xbf16>
      %dot_general3A_50 = arith.constant dense<0.000000e+00> : vector<1536x256xf32>
      %dot_general3A_51 = tpu.matmul %convert_element_type3A_46, %get3A_49, %dot_general3A_50 {dimension_numbers = #tpu.dot_dimension_numbers<[1], [0], [0], [1], [0, 0, 1, 1], [], []>, transpose_lhs_hint = false} : vector<1536x1024xbf16>, vector<1024x256xbf16>, vector<1536x256xf32> -> vector<1536x256xf32>
      %swap3A_52 = arith.constant 0 : index
      %swap3A_53 = arith.constant 0 : index
      %swap3A_54 = vector.load %arg8[%swap3A_52, %swap3A_53] : memref<1536x256xf32, #tpu.memory_space<vmem>>, vector<1536x256xf32>
      tpu.vector_store %arg8[%swap3A_52, %swap3A_53], %dot_general3A_51 {strides = array<i32>} : memref<1536x256xf32, #tpu.memory_space<vmem>>, vector<1536x256xf32>,
      %get3A_55 = arith.constant 0 : index
      %get3A_56 = arith.constant 0 : index
      %get3A_57 = vector.load %arg8[%get3A_55, %get3A_56] : memref<1536x256xf32, #tpu.memory_space<vmem>>, vector<1536x256xf32>
      %get3A_58 = arith.constant 0 : index
      %get3A_59 = arith.constant 0 : index
      %get3A_60 = vector.load %arg4[%get3A_58, %get3A_59] : memref<1024x256xbf16, #tpu.memory_space<vmem>>, vector<1024x256xbf16>
      %dot_general3A_61 = arith.constant dense<0.000000e+00> : vector<1536x256xf32>
      %dot_general3A_62 = tpu.matmul %convert_element_type3A_46, %get3A_60, %dot_general3A_61 {dimension_numbers = #tpu.dot_dimension_numbers<[1], [0], [0], [1], [0, 0, 1, 1], [], []>, transpose_lhs_hint = false} : vector<1536x1024xbf16>, vector<1024x256xbf16>, vector<1536x256xf32> -> vector<1536x256xf32>
      %add3A_63 = arith.addf %get3A_57, %dot_general3A_62 : vector<1536x256xf32>
      %swap3A_64 = arith.constant 0 : index
      %swap3A_65 = arith.constant 0 : index
      %swap3A_66 = vector.load %arg8[%swap3A_64, %swap3A_65] : memref<1536x256xf32, #tpu.memory_space<vmem>>, vector<1536x256xf32>
      tpu.vector_store %arg8[%swap3A_64, %swap3A_65], %add3A_63 {strides = array<i32>} : memref<1536x256xf32, #tpu.memory_space<vmem>>, vector<1536x256xf32>,
      %get3A_67 = arith.constant 0 : index
      %get3A_68 = arith.constant 0 : index
      %get3A_69 = vector.load %arg8[%get3A_67, %get3A_68] : memref<1536x256xf32, #tpu.memory_space<vmem>>, vector<1536x256xf32>
      %get3A_70 = arith.constant 0 : index
      %get3A_71 = arith.constant 0 : index
      %get3A_72 = vector.load %arg5[%get3A_70, %get3A_71] : memref<1024x256xbf16, #tpu.memory_space<vmem>>, vector<1024x256xbf16>
      %dot_general3A_73 = arith.constant dense<0.000000e+00> : vector<1536x256xf32>
      %dot_general3A_74 = tpu.matmul %convert_element_type3A_46, %get3A_72, %dot_general3A_73 {dimension_numbers = #tpu.dot_dimension_numbers<[1], [0], [0], [1], [0, 0, 1, 1], [], []>, transpose_lhs_hint = false} : vector<1536x1024xbf16>, vector<1024x256xbf16>, vector<1536x256xf32> -> vector<1536x256xf32>
      %add3A_75 = arith.addf %get3A_69, %dot_general3A_74 : vector<1536x256xf32>
      %swap3A_76 = arith.constant 0 : index
      %swap3A_77 = arith.constant 0 : index
      %swap3A_78 = vector.load %arg8[%swap3A_76, %swap3A_77] : memref<1536x256xf32, #tpu.memory_space<vmem>>, vector<1536x256xf32>
      tpu.vector_store %arg8[%swap3A_76, %swap3A_77], %add3A_75 {strides = array<i32>} : memref<1536x256xf32, #tpu.memory_space<vmem>>, vector<1536x256xf32>,
    } else {
    }
    return
  }
  func.func @transform_0(%arg0: i32) -> (i32, i32) {
    %c0_i32 = arith.constant 0 : i32
    %c0_i32_0 = arith.constant 0 : i32
    return %arg0, %c0_i32 : i32, i32
  }
  func.func @transform_1(%arg0: i32) -> (i32, i32) {
    %c0_i32 = arith.constant 0 : i32
    %c0_i32_0 = arith.constant 0 : i32
    %c0_i32_1 = arith.constant 0 : i32
    return %c0_i32, %c0_i32_0 : i32, i32
  }
  func.func @transform_2(%arg0: i32) -> (i32, i32) {
    %c0_i32 = arith.constant 0 : i32
    %c0_i32_0 = arith.constant 0 : i32
    %c0_i32_1 = arith.constant 0 : i32
    return %c0_i32, %c0_i32_0 : i32, i32
  }
  func.func @transform_3(%arg0: i32) -> (i32, i32) {
    %c0_i32 = arith.constant 0 : i32
    %c0_i32_0 = arith.constant 0 : i32
    %c0_i32_1 = arith.constant 0 : i32
    return %c0_i32, %c0_i32_0 : i32, i32
  }
  func.func @transform_4(%arg0: i32) -> (i32, i32) {
    %c0_i32 = arith.constant 0 : i32
    %c0_i32_0 = arith.constant 0 : i32
    %c0_i32_1 = arith.constant 0 : i32
    return %c0_i32, %c0_i32_0 : i32, i32
  }
  func.func @transform_5(%arg0: i32) -> (i32, i32, i32) {
    %c0_i32 = arith.constant 0 : i32
    %c0_i32_0 = arith.constant 0 : i32
    %c0_i32_1 = arith.constant 0 : i32
    return %arg0, %c0_i32, %c0_i32_0 : i32, i32, i32
  }
  func.func @transform_6(%arg0: i32) -> (i32, i32) {
    %c0_i32 = arith.constant 0 : i32
    %c0_i32_0 = arith.constant 0 : i32
    %c0_i32_1 = arith.constant 0 : i32
    return %c0_i32, %c0_i32_0 : i32, i32
  }
  func.func @transform_7(%arg0: i32) -> (i32, i32) {
    %c0_i32 = arith.constant 0 : i32
    %c0_i32_0 = arith.constant 0 : i32
    return %arg0, %c0_i32 : i32, i32
  }
}

</mosaic_0001>

<sc_bundles>
// kernel: kernel.4.cloned.1.call-start
scs
__scs_entry_jumppad:
0x0: {  	(pc) =	sbr.rel $0x88, $3  }
0x1: {  	(tag) =	ssettag $0x0;
	lr =	simm.s32 $0x1  }
0x2: {  	[smem:$0x3F9F] =	sst lr;
	_ =	strace $0xD0000000  }
0x3: {  	_ = 	snop  }
0x4: {  	_ = 	snop  }
0x5: {  	_ = 	snop  }
0x6: {  	_ = 	snop  }
0x7: {  	_ = 	snop  }
__scs_overlays_trampoline_lowered:
0x8: {  	[smem:$0x3FAE] =	sst s0  }
0x9: {  	[smem:$0x3FAF] =	sst s1  }
0xa: {  	[smem:$0x3FB0] =	sst s2  }
0xb: {  	[smem:$0x3FB1] =	sst s3  }
0xc: {  	[smem:$0x3FB2] =	sst s4  }
0xd: {  	[smem:$0x3FB3] =	sst s5  }
0xe: {  	[smem:$0x3FB4] =	sst s6  }
0xf: {  	[smem:$0x3FB5] =	sst s7  }
0x10: {  	[smem:$0x3FB6] =	sst s8  }
0x11: {  	[smem:$0x3FB7] =	sst s9;
	s0 =	simm.s32 @!p0 $0x0  }
0x12: {  	s1 =	sld [smem:$0x3F9D];
	s0 =	simm.s32 @p0 $0x1  }
0x13: {  	[smem:$0x3FB8] =	sst s0;
	s0 =	simm.s32 @!p1 $0x0  }
0x14: {  	s2 =	sld [smem:$0x3F9C];
	s0 =	simm.s32 @p1 $0x1  }
0x15: {  	[smem:$0x3FB9] =	sst s0;
	s0 =	simm.s32 @!p2 $0x0  }
0x16: {  	s3 =	sld [smem:$0x3FDB];
	s0 =	simm.s32 @p2 $0x1  }
0x17: {  	s4 =	simm.s32 $0x1BF5;
	[smem:$0x3FBB] =	sst s0  }
0x18: {  	s0 =	sld [smem:$0x3F9E];
	_ =	swait.ge [sflag:s4], $0x0  }
0x19: {  	s7 =	sld [smem:$0x3F9F]  }
0x1a: {  	s8 =	sadd.s32 $0xFFFFE003, lr  }
0x1b: {  	s9 =	sadd.s32 $0xFFFFFEF7, lr;
	s5 =	simm.s32 $0xFFFFFFFF;
	p2 =	slt.u32 s8, $0xFFFFF086  }
0x1c: {  	p1 =	slt.u32 s9, $0xF7A;
	s5 =	simm.s32 @!p2 $0x0  }
0x1d: {  	s5 =	simm.s32 @p1 $0x1;
	p0 =	seq.s32 s7, s2  }
0x1e: {  	s7 =	smul.u32 @!p0 $0xF7A, s2;
	p2 =	seq.s32 @!p0 s5, $0x0  }
0x1f: {  	s9 =	smul.u32 $0xF7A, s1;
	s8 =	simm.s32 @!p0 $0x1BF5;
	p2 =	por !p2, p0  }
0x20: {  	[sflag:s8] =	ssyncset.s32 @!p0 $0xFFFFF086;
	s6 =	sadd.s32 @!p0 s3, s7;
	s7 =	simm.s32 @!p0 $0x108  }
0x21: {  	s3 =	sadd.s32 s3, s9;
	s6 =	sadd.s32 @!p0 $0x88, s6;
	s7 =	simm.s32 @p2 $0x1082  }
0x22: {  	[simem:s7], [sflag:s8] =	dma.local @!p0 [hbm:s6], $0xF7A  }
0x23: {  	s9 =	sor.u32 $0xD0000000, s2;
	s6 =	simm.s32 $0x108;
	_ =	swait.ge @!p0 [sflag:s8], $0x0  }
0x24: {  	s3 =	sadd.s32 $0x88, s3;
	s6 =	simm.s32 @!p1 $0x1082;
	[sflag:s4] =	ssyncset.s32 $0xFFFFF086  }
0x25: {  	[simem:s6], [sflag:s4] =	dma.local [hbm:s3], $0xF7A  }
0x26: {  	[smem:$0x3F9F] =	sst s1;
	(tag) =	ssettag s2;
	_ =	strace s9  }
0x27: {  	s1 =	sld [smem:$0x3FAF]  }
0x28: {  	s2 =	sld [smem:$0x3FB0]  }
0x29: {  	s4 =	sld [smem:$0x3FB2]  }
0x2a: {  	p0 =	seq.s32 s5, $0x0;
	s5 =	sld [smem:$0x3FB3]  }
0x2b: {  	s6 =	sld [smem:$0x3FB4]  }
0x2c: {  	s7 =	sld [smem:$0x3FB5]  }
0x2d: {  	s3 =	simm.s32 $0x108;
	s8 =	sld [smem:$0x3FB6]  }
0x2e: {  	s3 =	simm.s32 @!p0 $0x1082;
	s9 =	sld [smem:$0x3FB7]  }
0x2f: {  	lr =	sadd.s32 s0, s3;
	s0 =	sld [smem:$0x3FAE]  }
0x30: {  	s3 =	sld [smem:$0x3FB1]  }
0x31: {  	[smem:$0x3FBA] =	sst s10  }
0x32: {  	s10 =	sld [smem:$0x3FB8];
	_ =	sdelay $0x3  }
0x33: {  	p0 =	seq.s32 s10, $0x1;
	s10 =	sld [smem:$0x3FBA];
	_ =	sdelay $0x3  }
0x34: {  	[smem:$0x3FBA] =	sst s10  }
0x35: {  	s10 =	sld [smem:$0x3FB9];
	_ =	sdelay $0x3  }
0x36: {  	p1 =	seq.s32 s10, $0x1;
	s10 =	sld [smem:$0x3FBA];
	_ =	sdelay $0x3  }
0x37: {  	[smem:$0x3FBA] =	sst s10  }
0x38: {  	s10 =	sld [smem:$0x3FBB]  }
0x39: {  	_ = 	snop;
	(pc) =	sbr.ind lr, $3  }
0x3a: {  	_ = 	snop  }
0x3b: {  	_ = 	snop  }
0x3c: {  	p2 =	seq.s32 s10, $0x1;
	s10 =	sld [smem:$0x3FBA]  }
0x3d: {  	_ =	shalt  }
0x3e: {  	_ =	shalt  }
0x3f: {  	_ =	shalt  }
0x40: {  	_ =	shalt  }
0x41: {  	_ =	shalt  }
0x42: {  	_ =	shalt  }
0x43: {  	_ =	shalt  }
0x44: {  	_ =	shalt  }
0x45: {  	_ =	shalt  }
0x46: {  	_ =	shalt  }
0x47: {  	_ =	shalt  }
0x48: {  	_ =	shalt  }
0x49: {  	_ =	shalt  }
0x4a: {  	_ =	shalt  }
0x4b: {  	_ =	shalt  }
0x4c: {  	_ =	shalt  }
0x4d: {  	_ =	shalt  }
0x4e: {  	_ =	shalt  }
0x4f: {  	_ =	shalt  }
0x50: {  	_ =	shalt  }
0x51: {  	_ =	shalt  }
0x52: {  	_ =	shalt  }
0x53: {  	_ =	shalt  }
0x54: {  	_ =	shalt  }
0x55: {  	_ =	shalt  }
0x56: {  	_ =	shalt  }
0x57: {  	_ =	shalt  }
0x58: {  	_ =	shalt  }
0x59: {  	_ =	shalt  }
0x5a: {  	_ =	shalt  }
0x5b: {  	_ =	shalt  }
0x5c: {  	_ =	shalt  }
0x5d: {  	_ =	shalt  }
0x5e: {  	_ =	shalt  }
0x5f: {  	_ =	shalt  }
0x60: {  	_ =	shalt  }
0x61: {  	_ =	shalt  }
0x62: {  	_ =	shalt  }
0x63: {  	_ =	shalt  }
0x64: {  	_ =	shalt  }
0x65: {  	_ =	shalt  }
0x66: {  	_ =	shalt  }
0x67: {  	_ =	shalt  }
0x68: {  	_ =	shalt  }
0x69: {  	_ =	shalt  }
0x6a: {  	_ =	shalt  }
0x6b: {  	_ =	shalt  }
0x6c: {  	_ =	shalt  }
0x6d: {  	_ =	shalt  }
0x6e: {  	_ =	shalt  }
0x6f: {  	_ =	shalt  }
0x70: {  	_ =	shalt  }
0x71: {  	_ =	shalt  }
0x72: {  	_ =	shalt  }
0x73: {  	_ =	shalt  }
0x74: {  	_ =	shalt  }
0x75: {  	_ =	shalt  }
0x76: {  	_ =	shalt  }
0x77: {  	_ =	shalt  }
0x78: {  	_ =	shalt  }
0x79: {  	_ =	shalt  }
0x7a: {  	_ =	shalt  }
0x7b: {  	_ =	shalt  }
0x7c: {  	_ =	shalt  }
0x7d: {  	_ =	shalt  }
0x7e: {  	_ =	shalt  }
0x7f: {  	_ =	shalt  }
0x80: {  	_ =	shalt  }
0x81: {  	_ =	shalt  }
0x82: {  	_ =	shalt  }
0x83: {  	_ =	shalt  }
0x84: {  	_ =	shalt  }
0x85: {  	_ =	shalt  }
0x86: {  	_ =	shalt  }
0x87: {  	_ =	shalt  }
.Lfunc_end0:
.L_simem_size_0:
called_computation_lowered:
.L_overlay_start_0:
0x88: {  	s2 =	sld [smem:$0x3FD9]  }
0x89: {  	s3 =	sld [smem:$0x3FFE];
	_ =	sdelay $0x1  }
0x8a: {  	s1 =	srdreg.scid  }
0x8b: {  	s0 =	sand.u32 $0x1, s1  }
0x8c: {  	s17 =	sshll.u32 s0, $0xA;
	s2 =	sadd.s32 s3, s2  }
0x8d: {  	s2 =	sadd.s32 s2, s17  }
0x8e: {  	[smem:$0x3FC6] =	sst s2  }
0x8f: {  	_ = 	snop  }
0x90: {  	s2 =	sld [smem:$0x3FC8];
	(tm) =	ssettm $0x1  }
0x91: {  	s18 =	sld [smem:$0x3FFB];
	_ =	sdelay $0x3  }
0x92: {  	_ =	strace s18  }
0x93: {  	s3 =	sld [smem:$0x3FFC];
	_ =	sdelay $0x3  }
0x94: {  	_ =	strace s3  }
0x95: {  	s3 =	sld [smem:$0x3FFD];
	_ =	sdelay $0x3  }
0x96: {  	_ =	strace s3  }
0x97: {  	_ =	strace $0x8FFFFFFF  }
0x98: {  	s19 =	sld [smem:$0x3FDB];
	_ =	sdelay $0x1  }
0x99: {  	s4 =	simm.s32 $_scs_section_size  }
0x9a: {  	s5 =	simm.s32 $_size__tile_overlayer_lowered;
	s6 =	simm.s32 $_tile_overlayer_lowered  }
0x9b: {  	s22 =	simm.s32 $0x1BFF;
	s21 =	sshll.u32 s6, $0x1;
	s3 =	sadd.s32 s4, s19  }
0x9c: {  	s7 =	simm.s32 $0x0;
	s20 =	sshll.u32 s5, $0x1;
	s5 =	sadd.s32 s21, s3  }
0x9d: {  	[timem:s7], [sflag:s22] =	dma.local [hbm:s5], s20  }
0x9e: {  	_ =	swait.ge [sflag:s22], s20  }
0x9f: {  	s4 =	ssub.s32 $0x0, s20;
	[sflag:s22] =	ssyncset.done $0x0  }
0xa0: {  	[sflag:s22] =	ssyncadd.s32 s4;
	_ =	sdelay $0x1  }
0xa1: {  	s23 =	simm.s32 $0x1B8B  }
0xa2: {  	_ =	swait.ge [sflag:s23], $0x1  }
0xa3: {  	[sflag:s23] =	ssyncset.done $0x0  }
0xa4: {  	s25 =	simm.s32 $0x1B8E;
	s24 =	sld [smem:$0x3FFE];
	[sflag:s23] =	ssyncadd.s32 $0xFFFFFFFF  }
0xa5: {  	s26 =	simm.s32 $execute0_lowered;
	[smem:$0x3FD2] =	sst s25  }
0xa6: {  	s5 =	sshll.u32 s26, $0x1;
	_ =	strace $0x80000046;
	[dreg:$0x1] =	wrdreg $0xFFFFFFFF  }
0xa7: {  	s28 =	simm.s32 $_size_execute0_lowered;
	s3 =	sadd.s32 s3, s5;
	[dreg:$0x0] =	wrdreg $0x0  }
0xa8: {  	s5 =	sshll.u32 s28, $0x1;
	[dreg:$0x2] =	wrdreg s3  }
0xa9: {  	[dreg:$0x3] =	wrdreg s5  }
0xaa: {  	[dreg:$0x4] =	wrdreg $0xC0  }
0xab: {  	_ =	task [dreg:s7], $0x5FFFF  }
0xac: {  	[dreg:$0x1] =	wrdreg $0xFFFFFFFF  }
0xad: {  	[dreg:$0x0] =	wrdreg $0x60  }
0xae: {  	[dreg:$0x2] =	wrdreg s2  }
0xaf: {  	[dreg:$0x3] =	wrdreg s24  }
0xb0: {  	[dreg:$0x4] =	wrdreg $0x9  }
0xb1: {  	_ =	task.clear_ibuf [dreg:s7], $0x5FFFF;
	_ =	strace $0x90000046  }
0xb2: {  	s29 =	simm.s32 $0x9;
	_ =	strace $0x80000048  }
0xb3: {  	_ =	swait.ge [sflag:s29], $0x1  }
0xb4: {  	[sflag:s29] =	ssyncadd.s32 $0xFFFFFFFF  }
0xb5: {  	_ =	strace $0x90000048  }
0xb6: {  	_ =	sfence  }
0xb7: {  	s30 =	sld [smem:$0x0];
	_ =	sdelay $0x2  }
0xb8: {  	s31 =	sshll.u32 s1, $0xD;
	s1 =	sshrl.u32 s1, $0x2  }
0xb9: {  	s3 =	sand.u32 $0x4000, s31;
	s1 =	sadd.s32 s1, s30  }
0xba: {  	s0 =	sor.u32 s3, s0;
	s1 =	sshll.u32 s1, $0x11  }
0xbb: {  	s0 =	sor.u32 s1, s0  }
0xbc: {  	s0 =	sadd.s32 $0x8F2B, s0  }
0xbd: {  	[sflag:s0] =	ssyncadd.remote.s32 $0x1  }
0xbe: {  	_ =	sfence.sel $0xFFFF  }
0xbf: {  	[dreg:$0x0] =	wrdreg $0xFFFFFFFF;
	(pc) =	sbr.abs _section_cstart, $3  }
0xc0: {  	[dreg:$0x1] =	wrdreg $0xFFFFFFFF  }
0xc1: {  	_ =	task.clear_ibuf [dreg:s7], $0x2FFFF;
	_ =	strace $0x9FFFFFFF  }
0xc2: {  	(tm) =	ssettm $0x7FFFFFFF  }
0xc3: {  	_ =	shalt  }
tec
execute0_lowered:
.L_overlay_start_1:
0x0: {  	(tag) =	ssettag $0x1  }
0x1: {  	s2 =	rddreg [dreg:$0x0]  }
0x2: {  	s4 =	rddreg [dreg:$0x1]  }
0x3: {  	s0 =	rddreg [dreg:$0x2]  }
0x4: {  	s5 =	srdreg.scid;
	s1 =	stileid.u32;
	s3 =	simm.s32 $0x0  }
0x5: {  	s11 =	simm.s32 $0x1100;
	s12 =	simm.s32 $0x1900;
	s13 =	simm.s32 $0x2100  }
0x6: {  	s14 =	simm.s32 $0x2900;
	s15 =	simm.s32 $0x3100;
	s16 =	simm.s32 $0x3900  }
0x7: {  	s17 =	simm.s32 $0x4100;
	s18 =	simm.s32 $0x4900;
	s19 =	simm.s32 $0x5100  }
0x8: {  	s20 =	simm.s32 $0x5900;
	s21 =	simm.s32 $0x6100;
	s22 =	simm.s32 $0x6900  }
0x9: {  	s23 =	simm.s32 $0x7100;
	s24 =	simm.s32 $0x7900;
	s25 =	simm.s32 $0x8100  }
0xa: {  	s28 =	simm.s32 $0x1;
	s5 =	sand.u32 $0x1, s5;
	s6 =	sshll.u32 s1, $0x1  }
0xb: {  	s29 =	simm.s32 $0x2;
	s30 =	simm.s32 $0x3;
	s6 =	sor.u32 s5, s6  }
0xc: {  	s31 =	simm.s32 $0x4;
	[smem:$0x7FF] =	sst s3;
	s7 =	smul.u32 $0x9000, s6  }
0xd: {  	s9 =	sadd.s32 $0xA00, s4;
	s5 =	ssub.s32 $0x2, s5;
	s8 =	smul.u32 $0x12, s6  }
0xe: {  	_ =	strace $0x80000047;
	s10 =	sshrl.u32 s5, $0x1;
	s6 =	smul.u32 $0x1200, s6  }
0xf: {  	s26 =	ssub.s32 s5, s10;
	s10 =	simm.s32 $0x900;
	s7 =	sshrl.u32 s7, $0x3  }
0x10: {  	v2 =	vlaneseq.u32;
	s4 =	sadd.s32 s8, s4;
	s5 =	sadd.s32 s9, s6;
	s8 =	simm.s32 $0x5  }
0x11: {  	vm0 =	vmmov $0xffff;
	v1 =	vshrl.u32 v2, $0x3;
	s7 =	sadd.s32 s9, s7;
	s4 =	sadd.s32 $0x600, s4;
	s9 =	simm.s32 $0x100  }
0x12: {  	v0 =	vand.u32 $0x7, v2;
	v2 =	vor.u32 $0x8, v2;
	v1 =	vmul.u32 $0x8, v1;
	s6 =	sadd.s32 $0x900, s7;
	s7 =	smax.u32 s26, $0x1;
	s26 =	simm.s32 $0x8900  }
.LBB2_1:
0x13: {  	[tilespmem:s3], [sflag:$0x5] =	stream.linear.gather [hbm4b:s4+s3], $0x90, $0x38;
	[tilespmem:$0x9100] =	vst v63  }
0x14: {  	_ =	swait.ge [sflag:s8], $0x90  }
0x15: {  	[sflag:s8] =	ssyncset.done $0x0  }
0x16: {  	[sflag:s8] =	ssyncadd.s32 $0xFFFFFF70  }
0x17: {  	v3 =	vld [tilespmem:$0x0];
	_ =	sdelay $0x4  }
0x18: {  	v4 =	vshll.u32 v3, $0x1  }
0x19: {  	v3 =	vand.u32 $0x7, v3;
	v4 =	vand.u32 $0xFFFFFFF0, v4  }
0x1a: {  	v3 =	vor.u32 v3, v4  }
0x1b: {  	v4 =	vperm.xlane v3, v0;
	_ =	sdelay $0x1  }
0x1c: {  	v3 =	vperm.xlane v3, v2;
	v4 =	vadd.s32 v1, v4;
	_ =	sdelay $0x1  }
0x1d: {  	v3 =	vadd.s32 v1, v3;
	_ =	sdelay $0x2  }
0x1e: {  	[tilespmem:s9], [sflag:$0x1] =	stream.indirect_vreg.gather [hbm4b:s2+s3], $0x80, v4, vm0, $0xb8;
	[tilespmem:$0x9100] =	vst v63  }
0x1f: {  	_ = 	snop  }
0x20: {  	[tilespmem:s10], [sflag:$0x1] =	stream.indirect_vreg.gather [hbm4b:s2+s3], $0x80, v3, vm0, $0xb8;
	[tilespmem:$0x9100] =	vst v63  }
0x21: {  	v3 =	vld [tilespmem:$0x10];
	_ =	sdelay $0x4  }
0x22: {  	v55 =	vshll.u32 v3, $0x1  }
0x23: {  	v3 =	vand.u32 $0x7, v3;
	v4 =	vand.u32 $0xFFFFFFF0, v55  }
0x24: {  	v3 =	vor.u32 v3, v4  }
0x25: {  	v4 =	vperm.xlane v3, v0;
	_ =	sdelay $0x1  }
0x26: {  	v3 =	vperm.xlane v3, v2;
	v4 =	vadd.s32 v1, v4;
	_ =	sdelay $0x1  }
0x27: {  	v3 =	vadd.s32 v1, v3;
	_ =	sdelay $0x2  }
0x28: {  	[tilespmem:s11], [sflag:$0x1] =	stream.indirect_vreg.gather [hbm4b:s2+s3], $0x80, v4, vm0, $0xb8;
	[tilespmem:$0x9100] =	vst v63  }
0x29: {  	_ = 	snop  }
0x2a: {  	[tilespmem:s12], [sflag:$0x1] =	stream.indirect_vreg.gather [hbm4b:s2+s3], $0x80, v3, vm0, $0xb8;
	[tilespmem:$0x9100] =	vst v63  }
0x2b: {  	v3 =	vld [tilespmem:$0x20];
	_ =	sdelay $0x4  }
0x2c: {  	v56 =	vshll.u32 v3, $0x1  }
0x2d: {  	v3 =	vand.u32 $0x7, v3;
	v4 =	vand.u32 $0xFFFFFFF0, v56  }
0x2e: {  	v3 =	vor.u32 v3, v4  }
0x2f: {  	v4 =	vperm.xlane v3, v0;
	_ =	sdelay $0x1  }
0x30: {  	v3 =	vperm.xlane v3, v2;
	v4 =	vadd.s32 v1, v4;
	_ =	sdelay $0x1  }
0x31: {  	v3 =	vadd.s32 v1, v3;
	_ =	sdelay $0x2  }
0x32: {  	[tilespmem:s13], [sflag:$0x1] =	stream.indirect_vreg.gather [hbm4b:s2+s3], $0x80, v4, vm0, $0xb8;
	[tilespmem:$0x9100] =	vst v63  }
0x33: {  	_ = 	snop  }
0x34: {  	[tilespmem:s14], [sflag:$0x1] =	stream.indirect_vreg.gather [hbm4b:s2+s3], $0x80, v3, vm0, $0xb8;
	[tilespmem:$0x9100] =	vst v63  }
0x35: {  	v3 =	vld [tilespmem:$0x30];
	_ =	sdelay $0x4  }
0x36: {  	v57 =	vshll.u32 v3, $0x1  }
0x37: {  	v3 =	vand.u32 $0x7, v3;
	v4 =	vand.u32 $0xFFFFFFF0, v57  }
0x38: {  	v3 =	vor.u32 v3, v4  }
0x39: {  	v4 =	vperm.xlane v3, v0;
	_ =	sdelay $0x1  }
0x3a: {  	v3 =	vperm.xlane v3, v2;
	v4 =	vadd.s32 v1, v4;
	_ =	sdelay $0x1  }
0x3b: {  	v3 =	vadd.s32 v1, v3;
	_ =	sdelay $0x2  }
0x3c: {  	[tilespmem:s15], [sflag:$0x1] =	stream.indirect_vreg.gather [hbm4b:s2+s3], $0x80, v4, vm0, $0xb8;
	[tilespmem:$0x9100] =	vst v63  }
0x3d: {  	_ = 	snop  }
0x3e: {  	[tilespmem:s16], [sflag:$0x1] =	stream.indirect_vreg.gather [hbm4b:s2+s3], $0x80, v3, vm0, $0xb8;
	[tilespmem:$0x9100] =	vst v63  }
0x3f: {  	v3 =	vld.msk [tilespmem:$0x40], $0xff;
	_ =	sdelay $0x4  }
0x40: {  	v58 =	vshll.u32 v3, $0x1  }
0x41: {  	v3 =	vand.u32 $0x7, v3;
	v4 =	vand.u32 $0xFFFFFFF0, v58  }
0x42: {  	v3 =	vor.u32 v3, v4  }
0x43: {  	v3 =	vperm.xlane v3, v0;
	_ =	sdelay $0x1  }
0x44: {  	v3 =	vadd.s32 v1, v3;
	_ =	sdelay $0x4  }
0x45: {  	[tilespmem:s17], [sflag:$0x1] =	stream.indirect_vreg.gather [hbm4b:s2+s3], $0x80, v3, vm0, $0xb8;
	[tilespmem:$0x9100] =	vst v63  }
0x46: {  	v3 =	vld [tilespmem:$0x48];
	_ =	sdelay $0x4  }
0x47: {  	v59 =	vshll.u32 v3, $0x1  }
0x48: {  	v3 =	vand.u32 $0x7, v3;
	v4 =	vand.u32 $0xFFFFFFF0, v59  }
0x49: {  	v3 =	vor.u32 v3, v4  }
0x4a: {  	v4 =	vperm.xlane v3, v0;
	_ =	sdelay $0x1  }
0x4b: {  	v3 =	vperm.xlane v3, v2;
	v4 =	vadd.s32 v1, v4;
	_ =	sdelay $0x1  }
0x4c: {  	v3 =	vadd.s32 v1, v3;
	_ =	sdelay $0x2  }
0x4d: {  	[tilespmem:s18], [sflag:$0x2] =	stream.indirect_vreg.gather [hbm4b:s2+s3], $0x80, v4, vm0, $0xb8;
	[tilespmem:$0x9100] =	vst v63  }
0x4e: {  	_ = 	snop  }
0x4f: {  	[tilespmem:s19], [sflag:$0x2] =	stream.indirect_vreg.gather [hbm4b:s2+s3], $0x80, v3, vm0, $0xb8;
	[tilespmem:$0x9100] =	vst v63  }
0x50: {  	v3 =	vld [tilespmem:$0x58];
	_ =	sdelay $0x4  }
0x51: {  	v60 =	vshll.u32 v3, $0x1  }
0x52: {  	v3 =	vand.u32 $0x7, v3;
	v4 =	vand.u32 $0xFFFFFFF0, v60  }
0x53: {  	v3 =	vor.u32 v3, v4  }
0x54: {  	v4 =	vperm.xlane v3, v0;
	_ =	sdelay $0x1  }
0x55: {  	v3 =	vperm.xlane v3, v2;
	v4 =	vadd.s32 v1, v4;
	_ =	sdelay $0x1  }
0x56: {  	v3 =	vadd.s32 v1, v3;
	_ =	sdelay $0x2  }
0x57: {  	[tilespmem:s20], [sflag:$0x2] =	stream.indirect_vreg.gather [hbm4b:s2+s3], $0x80, v4, vm0, $0xb8;
	[tilespmem:$0x9100] =	vst v63  }
0x58: {  	_ = 	snop  }
0x59: {  	[tilespmem:s21], [sflag:$0x2] =	stream.indirect_vreg.gather [hbm4b:s2+s3], $0x80, v3, vm0, $0xb8;
	[tilespmem:$0x9100] =	vst v63  }
0x5a: {  	v3 =	vld [tilespmem:$0x68];
	_ =	sdelay $0x4  }
0x5b: {  	v61 =	vshll.u32 v3, $0x1  }
0x5c: {  	v3 =	vand.u32 $0x7, v3;
	v4 =	vand.u32 $0xFFFFFFF0, v61  }
0x5d: {  	v3 =	vor.u32 v3, v4  }
0x5e: {  	v4 =	vperm.xlane v3, v0;
	_ =	sdelay $0x1  }
0x5f: {  	v3 =	vperm.xlane v3, v2;
	v4 =	vadd.s32 v1, v4;
	_ =	sdelay $0x1  }
0x60: {  	v3 =	vadd.s32 v1, v3;
	_ =	sdelay $0x2  }
0x61: {  	[tilespmem:s22], [sflag:$0x2] =	stream.indirect_vreg.gather [hbm4b:s2+s3], $0x80, v4, vm0, $0xb8;
	[tilespmem:$0x9100] =	vst v63  }
0x62: {  	_ = 	snop  }
0x63: {  	[tilespmem:s23], [sflag:$0x2] =	stream.indirect_vreg.gather [hbm4b:s2+s3], $0x80, v3, vm0, $0xb8;
	[tilespmem:$0x9100] =	vst v63  }
0x64: {  	v3 =	vld [tilespmem:$0x78];
	_ =	sdelay $0x4  }
0x65: {  	v62 =	vshll.u32 v3, $0x1  }
0x66: {  	v3 =	vand.u32 $0x7, v3;
	v4 =	vand.u32 $0xFFFFFFF0, v62  }
0x67: {  	v3 =	vor.u32 v3, v4  }
0x68: {  	v4 =	vperm.xlane v3, v0;
	_ =	sdelay $0x1  }
0x69: {  	v3 =	vperm.xlane v3, v2;
	v4 =	vadd.s32 v1, v4;
	_ =	sdelay $0x1  }
0x6a: {  	v3 =	vadd.s32 v1, v3;
	_ =	sdelay $0x2  }
0x6b: {  	[tilespmem:s24], [sflag:$0x2] =	stream.indirect_vreg.gather [hbm4b:s2+s3], $0x80, v4, vm0, $0xb8;
	[tilespmem:$0x9100] =	vst v63  }
0x6c: {  	_ = 	snop  }
0x6d: {  	[tilespmem:s25], [sflag:$0x2] =	stream.indirect_vreg.gather [hbm4b:s2+s3], $0x80, v3, vm0, $0xb8;
	[tilespmem:$0x9100] =	vst v63  }
0x6e: {  	v3 =	vld.msk [tilespmem:$0x88], $0xff;
	_ =	sdelay $0x4  }
0x6f: {  	v63 =	vshll.u32 v3, $0x1  }
0x70: {  	v3 =	vand.u32 $0x7, v3;
	v4 =	vand.u32 $0xFFFFFFF0, v63  }
0x71: {  	v3 =	vor.u32 v3, v4  }
0x72: {  	v3 =	vperm.xlane v3, v0;
	_ =	sdelay $0x1  }
0x73: {  	v3 =	vadd.s32 v1, v3;
	_ =	sdelay $0x4  }
0x74: {  	[tilespmem:s26], [sflag:$0x2] =	stream.indirect_vreg.gather [hbm4b:s2+s3], $0x80, v3, vm0, $0xb8;
	[tilespmem:$0x9100] =	vst v63  }
0x75: {  	_ =	swait.ge [sflag:s28], $0x4800  }
0x76: {  	[sflag:s28] =	ssyncset.done $0x0  }
0x77: {  	[sflag:s28] =	ssyncadd.s32 $0xFFFFB800  }
0x78: {  	[hbm4b:s5+s3] =	stream.linear.scatter [tilespmem:s9], [sflag:$0x3], $0x4800, $0x38;
	[tilespmem:$0x9100] =	vst v63  }
0x79: {  	_ =	swait.ge [sflag:s29], $0x4800  }
0x7a: {  	[sflag:s29] =	ssyncset.done $0x0  }
0x7b: {  	[sflag:s29] =	ssyncadd.s32 $0xFFFFB800  }
0x7c: {  	[hbm4b:s6+s3] =	stream.linear.scatter [tilespmem:s18], [sflag:$0x4], $0x4800, $0x38;
	[tilespmem:$0x9100] =	vst v63  }
0x7d: {  	p0 =	sne.s32 s7, $0x1;
	_ =	swait.ge [sflag:s30], $0x4800  }
.Ltmp0:
0x7e: {  	[sflag:s30] =	ssyncset.done $0x0;
	(pc) =	sbr.rel @p0 .LBB2_1-.Ltmp0, $4  }
0x7f: {  	[sflag:s30] =	ssyncadd.s32 $0xFFFFB800  }
0x80: {  	_ =	swait.ge [sflag:s31], $0x4800  }
0x81: {  	[sflag:s31] =	ssyncset.done $0x0  }
0x82: {  	s7 =	sadd.s32 $0xFFFFFFFF, s7;
	[sflag:s31] =	ssyncadd.s32 $0xFFFFB800  }
0x83: {  	_ =	sfence.sel $0x180000  }
0x84: {  	[bflag:$0x0] =	sbarrier.arrive $0xFFFF  }
0x85: {  	p0 =	sne.s32 s1, $0x0;
	_ =	strace $0x90000047  }
0x86: {  	s0 =	sadd.s32 @!p0 $0x100000, s0;
	[bflag:$0x2] =	sbarrier.arrive $0xFFFF  }
0x87: {  	[sflag:s0] =	ssyncadd.tile.s32 @!p0 $0x1;
	_ =	shalt  }
.Lfunc_end2:
_tile_overlayer_lowered:
.L_overlay_start_2:
0x88: {  	(tag) =	ssettag $0x2  }
0x89: {  	s0 =	rddreg [dreg:$0x0];
	s2 =	stileid.u32  }
0x8a: {  	s1 =	rddreg [dreg:$0x1];
	p0 =	sne.s32 s2, $0x0  }
0x8b: {  	s3 =	rddreg [dreg:$0x2];
	[bflag:$0x3] =	sbarrier.arrive $0xFFFF;
	s2 =	simm.s32 @!p0 $0x1C05  }
0x8c: {  	[timem:s3], [sflag:s2] =	dma.local @!p0 [hbm:s0], s1  }
0x8d: {  	s0 =	simm.s32 @!p0 $0x5  }
0x8e: {  	_ =	swait.ge @!p0 [sflag:s0], s1  }
0x8f: {  	s1 =	ssub.s32 @!p0 $0x0, s1;
	[sflag:s0] =	ssyncset.done @!p0 $0x0  }
0x90: {  	[sflag:s0] =	ssyncadd.s32 @!p0 s1  }
0x91: {  	[bflag:$0x3] =	sbarrier.arrive $0xFFFF  }
0x92: {  	_ =	shalt  }

</sc_bundles>
